<compile_context>
chip_gen: v7x
topology: tpu7x:2x2x1
jax: 0.10.2.dev20260603
libtpu: 0.0.44.dev20260713+nightly
codegen_flags: <defaults>
</compile_context>

<pallas_src>
import functools

import jax
import jax.numpy as jnp
from jax.experimental import pallas as pl
from jax.experimental.pallas import tpu as pltpu

_RES = 32
_TP = 100
_EXPAND = 0.5
_CH = 20
_NL = _CH * _RES


def _align_body(lo_ref, hi_ref, w_ref, x_ref, out_ref):
    T = x_ref.shape[2]
    lo = jnp.broadcast_to(lo_ref[0, 0], (T, _NL))
    hi = jnp.broadcast_to(hi_ref[0, 0], (T, _NL))
    w = jnp.broadcast_to(w_ref[0, 0], (T, _NL))
    t = jax.lax.broadcasted_iota(jnp.int32, (T, _NL), 0)
    wmat = jnp.where(t == lo, 1.0 - w, 0.0) + jnp.where(t == hi, w, 0.0)
    res = jax.lax.dot_general(x_ref[0], wmat, (((1,), (0,)), ((), ())),
                              preferred_element_type=jnp.float32)
    for i in range(_CH):
        out_ref[i] = res[:, i * _RES:(i + 1) * _RES]


def _align(x, lo, hi, w):
    B, C, T = x.shape
    nch = _TP // _CH
    lo_r = lo.reshape(B, nch, 1, _NL)
    hi_r = hi.reshape(B, nch, 1, _NL)
    w_r = w.reshape(B, nch, 1, _NL)
    spec_idx = pl.BlockSpec((1, 1, 1, _NL), lambda b, c: (b, c, 0, 0))
    return pl.pallas_call(
        _align_body,
        grid=(B, nch),
        in_specs=[
            spec_idx, spec_idx, spec_idx,
            pl.BlockSpec((1, C, T), lambda b, c: (b, 0, 0)),
        ],
        out_specs=pl.BlockSpec((_CH, C, _RES), lambda b, c: (b * nch + c, 0, 0)),
        out_shape=jax.ShapeDtypeStruct((B * _TP, C, _RES), jnp.float32),
        compiler_params=pltpu.CompilerParams(
            dimension_semantics=("parallel", "arbitrary")),
    )(lo_r, hi_r, w_r, x)


def kernel(x, start, end, actionnes, gt_iou_map, gt_bbox, num_gt):
    B, C, T = x.shape
    score = start[:, :, None] * end[:, None, :] * 0.5 * (
        actionnes[:, :, None] + actionnes[:, None, :])
    valid = jnp.triu(jnp.ones((T, T), dtype=jnp.float32), k=1)
    score = jnp.where(valid > 0, score, -1e9)
    _, top_idx = jax.lax.top_k(score.reshape(B, T * T), _TP)
    s_i = (top_idx // T).reshape(-1)
    e_i = (top_idx % T).reshape(-1)
    b_idx = jnp.repeat(jnp.arange(B, dtype=jnp.int32), _TP)
    s_f = s_i.astype(jnp.float32)
    e_f = e_i.astype(jnp.float32)
    anchor_coord = jnp.stack([b_idx.astype(jnp.float32), s_f, e_f], axis=1)
    ctx = (e_f - s_f) * _EXPAND
    s_exp = s_f - ctx
    e_exp = e_f + ctx
    iou = gt_iou_map[b_idx, s_i, e_i]
    samp_thr = jnp.mean(iou)
    pos_idx_st_end = (iou > samp_thr).astype(jnp.float32)
    pts = (jnp.arange(_RES, dtype=jnp.float32) + 0.5) / _RES
    coords = s_exp[:, None] + (e_exp - s_exp)[:, None] * pts[None, :]
    coords = jnp.clip(coords, 0.0, T - 1.0)
    lo = jnp.floor(coords).astype(jnp.int32)
    hi = jnp.minimum(lo + 1, T - 1)
    w = coords - lo.astype(jnp.float32)
    feat = _align(x, lo, hi, w)
    anchor_num = jnp.full((B,), _TP, dtype=jnp.int32)
    return feat, anchor_coord, anchor_num, samp_thr, pos_idx_st_end

# --- scband reference (transcript-rebuilt; emitter-appended) ---
"""Pipeline reference for scband-graph-align-76158360093085 (READ-ONLY COPY).

The authoritative reference and input builder live on the scoring server;
editing this copy changes nothing except your own understanding.
"""

import jax, jax.numpy as jnp
import numpy as np

RES = 32
T_PROPS = 100
EXPAND = 0.5


def setup_inputs(seed: int = 0) -> dict:
    key = jax.random.key(seed)
    ks = jax.random.split(key, 8)
    B, C, T = 16, 1024, 100
    x = jax.random.normal(ks[0], (B, C, T), dtype=jnp.float32)
    start = jax.random.uniform(ks[1], (B, T), dtype=jnp.float32)
    end = jax.random.uniform(ks[2], (B, T), dtype=jnp.float32)
    actionnes = jax.random.uniform(ks[3], (B, T), dtype=jnp.float32)
    gt_iou_map = jax.random.uniform(ks[4], (B, T, T), dtype=jnp.float32)
    gt_bbox = jax.random.uniform(ks[5], (B, 10, 2), dtype=jnp.float32)
    num_gt = jax.random.randint(ks[6], (B,), 0, 10, dtype=jnp.int32)
    return {"x": x, "start": start, "end": end, "actionnes": actionnes,
            "gt_iou_map": gt_iou_map, "gt_bbox": gt_bbox, "num_gt": num_gt}


def _align1d(x, b_idx, s, e):
    # 1D ROI-align with linear interpolation, RES samples per proposal
    B, C, T = x.shape
    pts = (jnp.arange(RES, dtype=jnp.float32) + 0.5) / RES
    coords = s[:, None] + (e - s)[:, None] * pts[None, :]          # [N, RES]
    coords = jnp.clip(coords, 0.0, T - 1.0)
    lo = jnp.floor(coords).astype(jnp.int32)
    hi = jnp.minimum(lo + 1, T - 1)
    w = coords - lo.astype(jnp.float32)
    bi = b_idx[:, None, None]
    ci = jnp.arange(C)[None, :, None]
    f_lo = x[bi, ci, lo[:, None, :]]                                # [N, C, RES]
    f_hi = x[bi, ci, hi[:, None, :]]
    return f_lo * (1.0 - w[:, None, :]) + f_hi * w[:, None, :]


def reference(x, start, end, actionnes, gt_iou_map, gt_bbox, num_gt):
    B, C, T = x.shape
    # _Prop_Generator: score every (s, e) pair, keep top-t per video
    score = start[:, :, None] * end[:, None, :] * 0.5 * (
        actionnes[:, :, None] + actionnes[:, None, :])
    valid = jnp.triu(jnp.ones((T, T), dtype=jnp.float32), k=1)
    score = jnp.where(valid > 0, score, -1e9)
    _, top_idx = jax.lax.top_k(score.reshape(B, T * T), T_PROPS)
    s_i = (top_idx // T).reshape(-1)
    e_i = (top_idx % T).reshape(-1)
    b_idx = jnp.repeat(jnp.arange(B, dtype=jnp.int32), T_PROPS)
    s_f = s_i.astype(jnp.float32)
    e_f = e_i.astype(jnp.float32)
    anchor_coord = jnp.stack([b_idx.astype(jnp.float32), s_f, e_f], axis=1)
    # context expansion by expand_ratio
    ctx = (e_f - s_f) * EXPAND
    s_exp = s_f - ctx
    e_exp = e_f + ctx
    # _Prop_Sampler: threshold on matched gt iou
    iou = gt_iou_map[b_idx, s_i, e_i]
    samp_thr = jnp.mean(iou)
    pos_idx_st_end = (iou > samp_thr).astype(jnp.float32)
    # Align1DLayer on expanded anchors
    feat = _align1d(x, b_idx, s_exp, e_exp)                        # [B*t, C, RES]
    anchor_num = (b_idx[None, :] == jnp.arange(B)[:, None]).sum(axis=1)
    return feat, anchor_coord, anchor_num, samp_thr, pos_idx_st_end

if __name__ == "__main__":
    import jax
    _d = setup_inputs()
    print(jax.jit(kernel)(*tuple(_d.values())))

</pallas_src>

<mosaic_0001>
module attributes {stable_mosaic.version = 14 : i64} {
  func.func @_align_body(%arg0: i32, %arg1: i32, %arg2: memref<1x1x1x640xi32, #tpu.memory_space<vmem>>, %arg3: memref<1x1x1x640xi32, #tpu.memory_space<vmem>>, %arg4: memref<1x1x1x640xf32, #tpu.memory_space<vmem>>, %arg5: memref<1x1024x100xf32, #tpu.memory_space<vmem>>, %arg6: memref<20x1024x32xf32, #tpu.memory_space<vmem>>) attributes {dimension_semantics = [#tpu.dimension_semantics<parallel>, #tpu.dimension_semantics<arbitrary>], iteration_bounds = array<i64: 16, 5>, scalar_prefetch = 0 : i64, scratch_operands = 0 : i64, tpu.core_type = #tpu.core_type<tc>, window_params = [{transform_indices = @transform_0, window_bounds = array<i64: 1, 1, 1, 640>}, {transform_indices = @transform_1, window_bounds = array<i64: 1, 1, 1, 640>}, {transform_indices = @transform_2, window_bounds = array<i64: 1, 1, 1, 640>}, {transform_indices = @transform_3, window_bounds = array<i64: 1, 1024, 100>}, {transform_indices = @transform_4, window_bounds = array<i64: 20, 1024, 32>}]} {
    %get3A = arith.constant 0 : index
    %get3A_0 = arith.constant 0 : index
    %get3A_1 = arith.constant 0 : index
    %get3A_2 = arith.constant 0 : index
    %get3A_3 = vector.load %arg2[%get3A, %get3A_0, %get3A_1, %get3A_2] : memref<1x1x1x640xi32, #tpu.memory_space<vmem>>, vector<1x1x1x640xi32>
    %get3A_4 = vector.shape_cast %get3A_3 : vector<1x1x1x640xi32> to vector<1x640xi32>
    %broadcast_in_dim3A = vector.shape_cast %get3A_4 : vector<1x640xi32> to vector<1x640xi32>
    %broadcast_in_dim3A_5 = vector.broadcast %broadcast_in_dim3A : vector<1x640xi32> to vector<100x640xi32>
    %get3A_6 = arith.constant 0 : index
    %get3A_7 = arith.constant 0 : index
    %get3A_8 = arith.constant 0 : index
    %get3A_9 = arith.constant 0 : index
    %get3A_10 = vector.load %arg3[%get3A_6, %get3A_7, %get3A_8, %get3A_9] : memref<1x1x1x640xi32, #tpu.memory_space<vmem>>, vector<1x1x1x640xi32>
    %get3A_11 = vector.shape_cast %get3A_10 : vector<1x1x1x640xi32> to vector<1x640xi32>
    %broadcast_in_dim3A_12 = vector.shape_cast %get3A_11 : vector<1x640xi32> to vector<1x640xi32>
    %broadcast_in_dim3A_13 = vector.broadcast %broadcast_in_dim3A_12 : vector<1x640xi32> to vector<100x640xi32>
    %get3A_14 = arith.constant 0 : index
    %get3A_15 = arith.constant 0 : index
    %get3A_16 = arith.constant 0 : index
    %get3A_17 = arith.constant 0 : index
    %get3A_18 = vector.load %arg4[%get3A_14, %get3A_15, %get3A_16, %get3A_17] : memref<1x1x1x640xf32, #tpu.memory_space<vmem>>, vector<1x1x1x640xf32>
    %get3A_19 = vector.shape_cast %get3A_18 : vector<1x1x1x640xf32> to vector<1x640xf32>
    %broadcast_in_dim3A_20 = vector.shape_cast %get3A_19 : vector<1x640xf32> to vector<1x640xf32>
    %broadcast_in_dim3A_21 = vector.broadcast %broadcast_in_dim3A_20 : vector<1x640xf32> to vector<100x640xf32>
    %iota3A = tpu.iota {dimensions = array<i32: 0>} : vector<100x640xi32>
    %eq3A = arith.cmpi eq, %iota3A, %broadcast_in_dim3A_5 : vector<100x640xi32>
    %sub3A = arith.constant 1.000000e+00 : f32
    %sub3A_22 = vector.broadcast %sub3A : f32 to vector<100x640xf32>
    %sub3A_23 = arith.subf %sub3A_22, %broadcast_in_dim3A_21 : vector<100x640xf32>
    %jit3A = arith.constant 0.000000e+00 : f32
    %broadcast_in_dim3A_24 = vector.broadcast %jit3A : f32 to vector<100x640xf32>
    %select_n3A = arith.select %eq3A, %sub3A_23, %broadcast_in_dim3A_24 : vector<100x640xi1>, vector<100x640xf32>
    %eq3A_25 = arith.cmpi eq, %iota3A, %broadcast_in_dim3A_13 : vector<100x640xi32>
    %jit3A_26 = arith.constant 0.000000e+00 : f32
    %broadcast_in_dim3A_27 = vector.broadcast %jit3A_26 : f32 to vector<100x640xf32>
    %select_n3A_28 = arith.select %eq3A_25, %broadcast_in_dim3A_21, %broadcast_in_dim3A_27 : vector<100x640xi1>, vector<100x640xf32>
    %add3A = arith.addf %select_n3A, %select_n3A_28 : vector<100x640xf32>
    %get3A_29 = arith.constant 0 : index
    %get3A_30 = arith.constant 0 : index
    %get3A_31 = arith.constant 0 : index
    %get3A_32 = vector.load %arg5[%get3A_29, %get3A_30, %get3A_31] : memref<1x1024x100xf32, #tpu.memory_space<vmem>>, vector<1x1024x100xf32>
    %get3A_33 = vector.shape_cast %get3A_32 : vector<1x1024x100xf32> to vector<1024x100xf32>
    %dot_general3A = arith.constant dense<0.000000e+00> : vector<1024x640xf32>
    %dot_general3A_34 = tpu.matmul %get3A_33, %add3A, %dot_general3A {dimension_numbers = #tpu.dot_dimension_numbers<[1], [0], [0], [1], [0, 0, 1, 1], [], []>, transpose_lhs_hint = false} : vector<1024x100xf32>, vector<100x640xf32>, vector<1024x640xf32> -> vector<1024x640xf32>
    %slice3A = vector.extract_strided_slice %dot_general3A_34 {offsets = [0, 0], sizes = [1024, 32], strides = [1, 1]} : vector<1024x640xf32> to vector<1024x32xf32>
    %swap3A = arith.constant 0 : index
    %swap3A_35 = arith.constant 0 : index
    %swap3A_36 = arith.constant 0 : index
    %swap3A_37 = vector.load %arg6[%swap3A, %swap3A_35, %swap3A_36] : memref<20x1024x32xf32, #tpu.memory_space<vmem>>, vector<1x1024x32xf32>
    %swap3A_38 = vector.shape_cast %swap3A_37 : vector<1x1024x32xf32> to vector<1024x32xf32>
    %swap3A_39 = vector.shape_cast %slice3A : vector<1024x32xf32> to vector<1x1024x32xf32>
    tpu.vector_store %arg6[%swap3A, %swap3A_35, %swap3A_36], %swap3A_39 {strides = array<i32>} : memref<20x1024x32xf32, #tpu.memory_space<vmem>>, vector<1x1024x32xf32>,
    %slice3A_40 = vector.extract_strided_slice %dot_general3A_34 {offsets = [0, 32], sizes = [1024, 32], strides = [1, 1]} : vector<1024x640xf32> to vector<1024x32xf32>
    %swap3A_41 = arith.constant 1 : index
    %swap3A_42 = arith.constant 0 : index
    %swap3A_43 = arith.constant 0 : index
    %swap3A_44 = vector.load %arg6[%swap3A_41, %swap3A_42, %swap3A_43] : memref<20x1024x32xf32, #tpu.memory_space<vmem>>, vector<1x1024x32xf32>
    %swap3A_45 = vector.shape_cast %swap3A_44 : vector<1x1024x32xf32> to vector<1024x32xf32>
    %swap3A_46 = vector.shape_cast %slice3A_40 : vector<1024x32xf32> to vector<1x1024x32xf32>
    tpu.vector_store %arg6[%swap3A_41, %swap3A_42, %swap3A_43], %swap3A_46 {strides = array<i32>} : memref<20x1024x32xf32, #tpu.memory_space<vmem>>, vector<1x1024x32xf32>,
    %slice3A_47 = vector.extract_strided_slice %dot_general3A_34 {offsets = [0, 64], sizes = [1024, 32], strides = [1, 1]} : vector<1024x640xf32> to vector<1024x32xf32>
    %swap3A_48 = arith.constant 2 : index
    %swap3A_49 = arith.constant 0 : index
    %swap3A_50 = arith.constant 0 : index
    %swap3A_51 = vector.load %arg6[%swap3A_48, %swap3A_49, %swap3A_50] : memref<20x1024x32xf32, #tpu.memory_space<vmem>>, vector<1x1024x32xf32>
    %swap3A_52 = vector.shape_cast %swap3A_51 : vector<1x1024x32xf32> to vector<1024x32xf32>
    %swap3A_53 = vector.shape_cast %slice3A_47 : vector<1024x32xf32> to vector<1x1024x32xf32>
    tpu.vector_store %arg6[%swap3A_48, %swap3A_49, %swap3A_50], %swap3A_53 {strides = array<i32>} : memref<20x1024x32xf32, #tpu.memory_space<vmem>>, vector<1x1024x32xf32>,
    %slice3A_54 = vector.extract_strided_slice %dot_general3A_34 {offsets = [0, 96], sizes = [1024, 32], strides = [1, 1]} : vector<1024x640xf32> to vector<1024x32xf32>
    %swap3A_55 = arith.constant 3 : index
    %swap3A_56 = arith.constant 0 : index
    %swap3A_57 = arith.constant 0 : index
    %swap3A_58 = vector.load %arg6[%swap3A_55, %swap3A_56, %swap3A_57] : memref<20x1024x32xf32, #tpu.memory_space<vmem>>, vector<1x1024x32xf32>
    %swap3A_59 = vector.shape_cast %swap3A_58 : vector<1x1024x32xf32> to vector<1024x32xf32>
    %swap3A_60 = vector.shape_cast %slice3A_54 : vector<1024x32xf32> to vector<1x1024x32xf32>
    tpu.vector_store %arg6[%swap3A_55, %swap3A_56, %swap3A_57], %swap3A_60 {strides = array<i32>} : memref<20x1024x32xf32, #tpu.memory_space<vmem>>, vector<1x1024x32xf32>,
    %slice3A_61 = vector.extract_strided_slice %dot_general3A_34 {offsets = [0, 128], sizes = [1024, 32], strides = [1, 1]} : vector<1024x640xf32> to vector<1024x32xf32>
    %swap3A_62 = arith.constant 4 : index
    %swap3A_63 = arith.constant 0 : index
    %swap3A_64 = arith.constant 0 : index
    %swap3A_65 = vector.load %arg6[%swap3A_62, %swap3A_63, %swap3A_64] : memref<20x1024x32xf32, #tpu.memory_space<vmem>>, vector<1x1024x32xf32>
    %swap3A_66 = vector.shape_cast %swap3A_65 : vector<1x1024x32xf32> to vector<1024x32xf32>
    %swap3A_67 = vector.shape_cast %slice3A_61 : vector<1024x32xf32> to vector<1x1024x32xf32>
    tpu.vector_store %arg6[%swap3A_62, %swap3A_63, %swap3A_64], %swap3A_67 {strides = array<i32>} : memref<20x1024x32xf32, #tpu.memory_space<vmem>>, vector<1x1024x32xf32>,
    %slice3A_68 = vector.extract_strided_slice %dot_general3A_34 {offsets = [0, 160], sizes = [1024, 32], strides = [1, 1]} : vector<1024x640xf32> to vector<1024x32xf32>
    %swap3A_69 = arith.constant 5 : index
    %swap3A_70 = arith.constant 0 : index
    %swap3A_71 = arith.constant 0 : index
    %swap3A_72 = vector.load %arg6[%swap3A_69, %swap3A_70, %swap3A_71] : memref<20x1024x32xf32, #tpu.memory_space<vmem>>, vector<1x1024x32xf32>
    %swap3A_73 = vector.shape_cast %swap3A_72 : vector<1x1024x32xf32> to vector<1024x32xf32>
    %swap3A_74 = vector.shape_cast %slice3A_68 : vector<1024x32xf32> to vector<1x1024x32xf32>
    tpu.vector_store %arg6[%swap3A_69, %swap3A_70, %swap3A_71], %swap3A_74 {strides = array<i32>} : memref<20x1024x32xf32, #tpu.memory_space<vmem>>, vector<1x1024x32xf32>,
    %slice3A_75 = vector.extract_strided_slice %dot_general3A_34 {offsets = [0, 192], sizes = [1024, 32], strides = [1, 1]} : vector<1024x640xf32> to vector<1024x32xf32>
    %swap3A_76 = arith.constant 6 : index
    %swap3A_77 = arith.constant 0 : index
    %swap3A_78 = arith.constant 0 : index
    %swap3A_79 = vector.load %arg6[%swap3A_76, %swap3A_77, %swap3A_78] : memref<20x1024x32xf32, #tpu.memory_space<vmem>>, vector<1x1024x32xf32>
    %swap3A_80 = vector.shape_cast %swap3A_79 : vector<1x1024x32xf32> to vector<1024x32xf32>
    %swap3A_81 = vector.shape_cast %slice3A_75 : vector<1024x32xf32> to vector<1x1024x32xf32>
    tpu.vector_store %arg6[%swap3A_76, %swap3A_77, %swap3A_78], %swap3A_81 {strides = array<i32>} : memref<20x1024x32xf32, #tpu.memory_space<vmem>>, vector<1x1024x32xf32>,
    %slice3A_82 = vector.extract_strided_slice %dot_general3A_34 {offsets = [0, 224], sizes = [1024, 32], strides = [1, 1]} : vector<1024x640xf32> to vector<1024x32xf32>
    %swap3A_83 = arith.constant 7 : index
    %swap3A_84 = arith.constant 0 : index
    %swap3A_85 = arith.constant 0 : index
    %swap3A_86 = vector.load %arg6[%swap3A_83, %swap3A_84, %swap3A_85] : memref<20x1024x32xf32, #tpu.memory_space<vmem>>, vector<1x1024x32xf32>
    %swap3A_87 = vector.shape_cast %swap3A_86 : vector<1x1024x32xf32> to vector<1024x32xf32>
    %swap3A_88 = vector.shape_cast %slice3A_82 : vector<1024x32xf32> to vector<1x1024x32xf32>
    tpu.vector_store %arg6[%swap3A_83, %swap3A_84, %swap3A_85], %swap3A_88 {strides = array<i32>} : memref<20x1024x32xf32, #tpu.memory_space<vmem>>, vector<1x1024x32xf32>,
    %slice3A_89 = vector.extract_strided_slice %dot_general3A_34 {offsets = [0, 256], sizes = [1024, 32], strides = [1, 1]} : vector<1024x640xf32> to vector<1024x32xf32>
    %swap3A_90 = arith.constant 8 : index
    %swap3A_91 = arith.constant 0 : index
    %swap3A_92 = arith.constant 0 : index
    %swap3A_93 = vector.load %arg6[%swap3A_90, %swap3A_91, %swap3A_92] : memref<20x1024x32xf32, #tpu.memory_space<vmem>>, vector<1x1024x32xf32>
    %swap3A_94 = vector.shape_cast %swap3A_93 : vector<1x1024x32xf32> to vector<1024x32xf32>
    %swap3A_95 = vector.shape_cast %slice3A_89 : vector<1024x32xf32> to vector<1x1024x32xf32>
    tpu.vector_store %arg6[%swap3A_90, %swap3A_91, %swap3A_92], %swap3A_95 {strides = array<i32>} : memref<20x1024x32xf32, #tpu.memory_space<vmem>>, vector<1x1024x32xf32>,
    %slice3A_96 = vector.extract_strided_slice %dot_general3A_34 {offsets = [0, 288], sizes = [1024, 32], strides = [1, 1]} : vector<1024x640xf32> to vector<1024x32xf32>
    %swap3A_97 = arith.constant 9 : index
    %swap3A_98 = arith.constant 0 : index
    %swap3A_99 = arith.constant 0 : index
    %swap3A_100 = vector.load %arg6[%swap3A_97, %swap3A_98, %swap3A_99] : memref<20x1024x32xf32, #tpu.memory_space<vmem>>, vector<1x1024x32xf32>
    %swap3A_101 = vector.shape_cast %swap3A_100 : vector<1x1024x32xf32> to vector<1024x32xf32>
    %swap3A_102 = vector.shape_cast %slice3A_96 : vector<1024x32xf32> to vector<1x1024x32xf32>
    tpu.vector_store %arg6[%swap3A_97, %swap3A_98, %swap3A_99], %swap3A_102 {strides = array<i32>} : memref<20x1024x32xf32, #tpu.memory_space<vmem>>, vector<1x1024x32xf32>,
    %slice3A_103 = vector.extract_strided_slice %dot_general3A_34 {offsets = [0, 320], sizes = [1024, 32], strides = [1, 1]} : vector<1024x640xf32> to vector<1024x32xf32>
    %swap3A_104 = arith.constant 10 : index
    %swap3A_105 = arith.constant 0 : index
    %swap3A_106 = arith.constant 0 : index
    %swap3A_107 = vector.load %arg6[%swap3A_104, %swap3A_105, %swap3A_106] : memref<20x1024x32xf32, #tpu.memory_space<vmem>>, vector<1x1024x32xf32>
    %swap3A_108 = vector.shape_cast %swap3A_107 : vector<1x1024x32xf32> to vector<1024x32xf32>
    %swap3A_109 = vector.shape_cast %slice3A_103 : vector<1024x32xf32> to vector<1x1024x32xf32>
    tpu.vector_store %arg6[%swap3A_104, %swap3A_105, %swap3A_106], %swap3A_109 {strides = array<i32>} : memref<20x1024x32xf32, #tpu.memory_space<vmem>>, vector<1x1024x32xf32>,
    %slice3A_110 = vector.extract_strided_slice %dot_general3A_34 {offsets = [0, 352], sizes = [1024, 32], strides = [1, 1]} : vector<1024x640xf32> to vector<1024x32xf32>
    %swap3A_111 = arith.constant 11 : index
    %swap3A_112 = arith.constant 0 : index
    %swap3A_113 = arith.constant 0 : index
    %swap3A_114 = vector.load %arg6[%swap3A_111, %swap3A_112, %swap3A_113] : memref<20x1024x32xf32, #tpu.memory_space<vmem>>, vector<1x1024x32xf32>
    %swap3A_115 = vector.shape_cast %swap3A_114 : vector<1x1024x32xf32> to vector<1024x32xf32>
    %swap3A_116 = vector.shape_cast %slice3A_110 : vector<1024x32xf32> to vector<1x1024x32xf32>
    tpu.vector_store %arg6[%swap3A_111, %swap3A_112, %swap3A_113], %swap3A_116 {strides = array<i32>} : memref<20x1024x32xf32, #tpu.memory_space<vmem>>, vector<1x1024x32xf32>,
    %slice3A_117 = vector.extract_strided_slice %dot_general3A_34 {offsets = [0, 384], sizes = [1024, 32], strides = [1, 1]} : vector<1024x640xf32> to vector<1024x32xf32>
    %swap3A_118 = arith.constant 12 : index
    %swap3A_119 = arith.constant 0 : index
    %swap3A_120 = arith.constant 0 : index
    %swap3A_121 = vector.load %arg6[%swap3A_118, %swap3A_119, %swap3A_120] : memref<20x1024x32xf32, #tpu.memory_space<vmem>>, vector<1x1024x32xf32>
    %swap3A_122 = vector.shape_cast %swap3A_121 : vector<1x1024x32xf32> to vector<1024x32xf32>
    %swap3A_123 = vector.shape_cast %slice3A_117 : vector<1024x32xf32> to vector<1x1024x32xf32>
    tpu.vector_store %arg6[%swap3A_118, %swap3A_119, %swap3A_120], %swap3A_123 {strides = array<i32>} : memref<20x1024x32xf32, #tpu.memory_space<vmem>>, vector<1x1024x32xf32>,
    %slice3A_124 = vector.extract_strided_slice %dot_general3A_34 {offsets = [0, 416], sizes = [1024, 32], strides = [1, 1]} : vector<1024x640xf32> to vector<1024x32xf32>
    %swap3A_125 = arith.constant 13 : index
    %swap3A_126 = arith.constant 0 : index
    %swap3A_127 = arith.constant 0 : index
    %swap3A_128 = vector.load %arg6[%swap3A_125, %swap3A_126, %swap3A_127] : memref<20x1024x32xf32, #tpu.memory_space<vmem>>, vector<1x1024x32xf32>
    %swap3A_129 = vector.shape_cast %swap3A_128 : vector<1x1024x32xf32> to vector<1024x32xf32>
    %swap3A_130 = vector.shape_cast %slice3A_124 : vector<1024x32xf32> to vector<1x1024x32xf32>
    tpu.vector_store %arg6[%swap3A_125, %swap3A_126, %swap3A_127], %swap3A_130 {strides = array<i32>} : memref<20x1024x32xf32, #tpu.memory_space<vmem>>, vector<1x1024x32xf32>,
    %slice3A_131 = vector.extract_strided_slice %dot_general3A_34 {offsets = [0, 448], sizes = [1024, 32], strides = [1, 1]} : vector<1024x640xf32> to vector<1024x32xf32>
    %swap3A_132 = arith.constant 14 : index
    %swap3A_133 = arith.constant 0 : index
    %swap3A_134 = arith.constant 0 : index
    %swap3A_135 = vector.load %arg6[%swap3A_132, %swap3A_133, %swap3A_134] : memref<20x1024x32xf32, #tpu.memory_space<vmem>>, vector<1x1024x32xf32>
    %swap3A_136 = vector.shape_cast %swap3A_135 : vector<1x1024x32xf32> to vector<1024x32xf32>
    %swap3A_137 = vector.shape_cast %slice3A_131 : vector<1024x32xf32> to vector<1x1024x32xf32>
    tpu.vector_store %arg6[%swap3A_132, %swap3A_133, %swap3A_134], %swap3A_137 {strides = array<i32>} : memref<20x1024x32xf32, #tpu.memory_space<vmem>>, vector<1x1024x32xf32>,
    %slice3A_138 = vector.extract_strided_slice %dot_general3A_34 {offsets = [0, 480], sizes = [1024, 32], strides = [1, 1]} : vector<1024x640xf32> to vector<1024x32xf32>
    %swap3A_139 = arith.constant 15 : index
    %swap3A_140 = arith.constant 0 : index
    %swap3A_141 = arith.constant 0 : index
    %swap3A_142 = vector.load %arg6[%swap3A_139, %swap3A_140, %swap3A_141] : memref<20x1024x32xf32, #tpu.memory_space<vmem>>, vector<1x1024x32xf32>
    %swap3A_143 = vector.shape_cast %swap3A_142 : vector<1x1024x32xf32> to vector<1024x32xf32>
    %swap3A_144 = vector.shape_cast %slice3A_138 : vector<1024x32xf32> to vector<1x1024x32xf32>
    tpu.vector_store %arg6[%swap3A_139, %swap3A_140, %swap3A_141], %swap3A_144 {strides = array<i32>} : memref<20x1024x32xf32, #tpu.memory_space<vmem>>, vector<1x1024x32xf32>,
    %slice3A_145 = vector.extract_strided_slice %dot_general3A_34 {offsets = [0, 512], sizes = [1024, 32], strides = [1, 1]} : vector<1024x640xf32> to vector<1024x32xf32>
    %swap3A_146 = arith.constant 16 : index
    %swap3A_147 = arith.constant 0 : index
    %swap3A_148 = arith.constant 0 : index
    %swap3A_149 = vector.load %arg6[%swap3A_146, %swap3A_147, %swap3A_148] : memref<20x1024x32xf32, #tpu.memory_space<vmem>>, vector<1x1024x32xf32>
    %swap3A_150 = vector.shape_cast %swap3A_149 : vector<1x1024x32xf32> to vector<1024x32xf32>
    %swap3A_151 = vector.shape_cast %slice3A_145 : vector<1024x32xf32> to vector<1x1024x32xf32>
    tpu.vector_store %arg6[%swap3A_146, %swap3A_147, %swap3A_148], %swap3A_151 {strides = array<i32>} : memref<20x1024x32xf32, #tpu.memory_space<vmem>>, vector<1x1024x32xf32>,
    %slice3A_152 = vector.extract_strided_slice %dot_general3A_34 {offsets = [0, 544], sizes = [1024, 32], strides = [1, 1]} : vector<1024x640xf32> to vector<1024x32xf32>
    %swap3A_153 = arith.constant 17 : index
    %swap3A_154 = arith.constant 0 : index
    %swap3A_155 = arith.constant 0 : index
    %swap3A_156 = vector.load %arg6[%swap3A_153, %swap3A_154, %swap3A_155] : memref<20x1024x32xf32, #tpu.memory_space<vmem>>, vector<1x1024x32xf32>
    %swap3A_157 = vector.shape_cast %swap3A_156 : vector<1x1024x32xf32> to vector<1024x32xf32>
    %swap3A_158 = vector.shape_cast %slice3A_152 : vector<1024x32xf32> to vector<1x1024x32xf32>
    tpu.vector_store %arg6[%swap3A_153, %swap3A_154, %swap3A_155], %swap3A_158 {strides = array<i32>} : memref<20x1024x32xf32, #tpu.memory_space<vmem>>, vector<1x1024x32xf32>,
    %slice3A_159 = vector.extract_strided_slice %dot_general3A_34 {offsets = [0, 576], sizes = [1024, 32], strides = [1, 1]} : vector<1024x640xf32> to vector<1024x32xf32>
    %swap3A_160 = arith.constant 18 : index
    %swap3A_161 = arith.constant 0 : index
    %swap3A_162 = arith.constant 0 : index
    %swap3A_163 = vector.load %arg6[%swap3A_160, %swap3A_161, %swap3A_162] : memref<20x1024x32xf32, #tpu.memory_space<vmem>>, vector<1x1024x32xf32>
    %swap3A_164 = vector.shape_cast %swap3A_163 : vector<1x1024x32xf32> to vector<1024x32xf32>
    %swap3A_165 = vector.shape_cast %slice3A_159 : vector<1024x32xf32> to vector<1x1024x32xf32>
    tpu.vector_store %arg6[%swap3A_160, %swap3A_161, %swap3A_162], %swap3A_165 {strides = array<i32>} : memref<20x1024x32xf32, #tpu.memory_space<vmem>>, vector<1x1024x32xf32>,
    %slice3A_166 = vector.extract_strided_slice %dot_general3A_34 {offsets = [0, 608], sizes = [1024, 32], strides = [1, 1]} : vector<1024x640xf32> to vector<1024x32xf32>
    %swap3A_167 = arith.constant 19 : index
    %swap3A_168 = arith.constant 0 : index
    %swap3A_169 = arith.constant 0 : index
    %swap3A_170 = vector.load %arg6[%swap3A_167, %swap3A_168, %swap3A_169] : memref<20x1024x32xf32, #tpu.memory_space<vmem>>, vector<1x1024x32xf32>
    %swap3A_171 = vector.shape_cast %swap3A_170 : vector<1x1024x32xf32> to vector<1024x32xf32>
    %swap3A_172 = vector.shape_cast %slice3A_166 : vector<1024x32xf32> to vector<1x1024x32xf32>
    tpu.vector_store %arg6[%swap3A_167, %swap3A_168, %swap3A_169], %swap3A_172 {strides = array<i32>} : memref<20x1024x32xf32, #tpu.memory_space<vmem>>, vector<1x1024x32xf32>,
    return
  }
  func.func @transform_0(%arg0: i32, %arg1: i32) -> (i32, i32, i32, i32) {
    %c0_i32 = arith.constant 0 : i32
    %c0_i32_0 = arith.constant 0 : i32
    %c0_i32_1 = arith.constant 0 : i32
    return %arg0, %arg1, %c0_i32, %c0_i32_0 : i32, i32, i32, i32
  }
  func.func @transform_1(%arg0: i32, %arg1: i32) -> (i32, i32, i32, i32) {
    %c0_i32 = arith.constant 0 : i32
    %c0_i32_0 = arith.constant 0 : i32
    %c0_i32_1 = arith.constant 0 : i32
    return %arg0, %arg1, %c0_i32, %c0_i32_0 : i32, i32, i32, i32
  }
  func.func @transform_2(%arg0: i32, %arg1: i32) -> (i32, i32, i32, i32) {
    %c0_i32 = arith.constant 0 : i32
    %c0_i32_0 = arith.constant 0 : i32
    %c0_i32_1 = arith.constant 0 : i32
    return %arg0, %arg1, %c0_i32, %c0_i32_0 : i32, i32, i32, i32
  }
  func.func @transform_3(%arg0: i32, %arg1: i32) -> (i32, i32, i32) {
    %c0_i32 = arith.constant 0 : i32
    %c0_i32_0 = arith.constant 0 : i32
    %c0_i32_1 = arith.constant 0 : i32
    return %arg0, %c0_i32, %c0_i32_0 : i32, i32, i32
  }
  func.func @transform_4(%arg0: i32, %arg1: i32) -> (i32, i32, i32) {
    %mul3A = arith.constant 5 : i32
    %mul3A_0 = arith.muli %arg0, %mul3A : i32
    %add3A = arith.addi %mul3A_0, %arg1 : i32
    %c0_i32 = arith.constant 0 : i32
    %c0_i32_1 = arith.constant 0 : i32
    %c0_i32_2 = arith.constant 0 : i32
    return %add3A, %c0_i32, %c0_i32_1 : i32, i32, i32
  }
}

</mosaic_0001>

<sc_bundles>
// kernel: gather_offload_async_start
scs
__scs_entry_jumppad:
0x0: {  	(pc) =	sbr.rel $0x88, $3  }
0x1: {  	(tag) =	ssettag $0x0;
	lr =	simm.s32 $0x1  }
0x2: {  	[smem:$0x3F9C] =	sst lr;
	_ =	strace $0xD0000000  }
0x3: {  	_ = 	snop  }
0x4: {  	_ = 	snop  }
0x5: {  	_ = 	snop  }
0x6: {  	_ = 	snop  }
0x7: {  	_ = 	snop  }
__scs_overlays_trampoline_lowered:
0x8: {  	[smem:$0x3FAB] =	sst s0  }
0x9: {  	[smem:$0x3FAC] =	sst s1  }
0xa: {  	[smem:$0x3FAD] =	sst s2  }
0xb: {  	[smem:$0x3FAE] =	sst s3  }
0xc: {  	[smem:$0x3FAF] =	sst s4  }
0xd: {  	[smem:$0x3FB0] =	sst s5  }
0xe: {  	[smem:$0x3FB1] =	sst s6  }
0xf: {  	[smem:$0x3FB2] =	sst s7  }
0x10: {  	[smem:$0x3FB3] =	sst s8  }
0x11: {  	[smem:$0x3FB4] =	sst s9;
	s0 =	simm.s32 @!p0 $0x0  }
0x12: {  	s1 =	sld [smem:$0x3F9A];
	s0 =	simm.s32 @p0 $0x1  }
0x13: {  	[smem:$0x3FB5] =	sst s0;
	s0 =	simm.s32 @!p1 $0x0  }
0x14: {  	s2 =	sld [smem:$0x3F99];
	s0 =	simm.s32 @p1 $0x1  }
0x15: {  	[smem:$0x3FB6] =	sst s0;
	s0 =	simm.s32 @!p2 $0x0  }
0x16: {  	s3 =	sld [smem:$0x3FDB];
	s0 =	simm.s32 @p2 $0x1  }
0x17: {  	s4 =	simm.s32 $0x1BF5;
	[smem:$0x3FB8] =	sst s0  }
0x18: {  	s0 =	sld [smem:$0x3F9B];
	_ =	swait.ge [sflag:s4], $0x0  }
0x19: {  	s7 =	sld [smem:$0x3F9C]  }
0x1a: {  	s8 =	sadd.s32 $0xFFFFE003, lr  }
0x1b: {  	s9 =	sadd.s32 $0xFFFFFEF7, lr;
	s5 =	simm.s32 $0xFFFFFFFF;
	p2 =	slt.u32 s8, $0xFFFFF086  }
0x1c: {  	p1 =	slt.u32 s9, $0xF7A;
	s5 =	simm.s32 @!p2 $0x0  }
0x1d: {  	s5 =	simm.s32 @p1 $0x1;
	p0 =	seq.s32 s7, s2  }
0x1e: {  	s7 =	smul.u32 @!p0 $0xF7A, s2;
	p2 =	seq.s32 @!p0 s5, $0x0  }
0x1f: {  	s9 =	smul.u32 $0xF7A, s1;
	s8 =	simm.s32 @!p0 $0x1BF5;
	p2 =	por !p2, p0  }
0x20: {  	[sflag:s8] =	ssyncset.s32 @!p0 $0xFFFFF086;
	s6 =	sadd.s32 @!p0 s3, s7;
	s7 =	simm.s32 @!p0 $0x108  }
0x21: {  	s3 =	sadd.s32 s3, s9;
	s6 =	sadd.s32 @!p0 $0x88, s6;
	s7 =	simm.s32 @p2 $0x1082  }
0x22: {  	[simem:s7], [sflag:s8] =	dma.local @!p0 [hbm:s6], $0xF7A  }
0x23: {  	s9 =	sor.u32 $0xD0000000, s2;
	s6 =	simm.s32 $0x108;
	_ =	swait.ge @!p0 [sflag:s8], $0x0  }
0x24: {  	s3 =	sadd.s32 $0x88, s3;
	s6 =	simm.s32 @!p1 $0x1082;
	[sflag:s4] =	ssyncset.s32 $0xFFFFF086  }
0x25: {  	[simem:s6], [sflag:s4] =	dma.local [hbm:s3], $0xF7A  }
0x26: {  	[smem:$0x3F9C] =	sst s1;
	(tag) =	ssettag s2;
	_ =	strace s9  }
0x27: {  	s1 =	sld [smem:$0x3FAC]  }
0x28: {  	s2 =	sld [smem:$0x3FAD]  }
0x29: {  	s4 =	sld [smem:$0x3FAF]  }
0x2a: {  	p0 =	seq.s32 s5, $0x0;
	s5 =	sld [smem:$0x3FB0]  }
0x2b: {  	s6 =	sld [smem:$0x3FB1]  }
0x2c: {  	s7 =	sld [smem:$0x3FB2]  }
0x2d: {  	s3 =	simm.s32 $0x108;
	s8 =	sld [smem:$0x3FB3]  }
0x2e: {  	s3 =	simm.s32 @!p0 $0x1082;
	s9 =	sld [smem:$0x3FB4]  }
0x2f: {  	lr =	sadd.s32 s0, s3;
	s0 =	sld [smem:$0x3FAB]  }
0x30: {  	s3 =	sld [smem:$0x3FAE]  }
0x31: {  	[smem:$0x3FB7] =	sst s10  }
0x32: {  	s10 =	sld [smem:$0x3FB5];
	_ =	sdelay $0x3  }
0x33: {  	p0 =	seq.s32 s10, $0x1;
	s10 =	sld [smem:$0x3FB7];
	_ =	sdelay $0x3  }
0x34: {  	[smem:$0x3FB7] =	sst s10  }
0x35: {  	s10 =	sld [smem:$0x3FB6];
	_ =	sdelay $0x3  }
0x36: {  	p1 =	seq.s32 s10, $0x1;
	s10 =	sld [smem:$0x3FB7];
	_ =	sdelay $0x3  }
0x37: {  	[smem:$0x3FB7] =	sst s10  }
0x38: {  	s10 =	sld [smem:$0x3FB8]  }
0x39: {  	_ = 	snop;
	(pc) =	sbr.ind lr, $3  }
0x3a: {  	_ = 	snop  }
0x3b: {  	_ = 	snop  }
0x3c: {  	p2 =	seq.s32 s10, $0x1;
	s10 =	sld [smem:$0x3FB7]  }
0x3d: {  	_ =	shalt  }
0x3e: {  	_ =	shalt  }
0x3f: {  	_ =	shalt  }
0x40: {  	_ =	shalt  }
0x41: {  	_ =	shalt  }
0x42: {  	_ =	shalt  }
0x43: {  	_ =	shalt  }
0x44: {  	_ =	shalt  }
0x45: {  	_ =	shalt  }
0x46: {  	_ =	shalt  }
0x47: {  	_ =	shalt  }
0x48: {  	_ =	shalt  }
0x49: {  	_ =	shalt  }
0x4a: {  	_ =	shalt  }
0x4b: {  	_ =	shalt  }
0x4c: {  	_ =	shalt  }
0x4d: {  	_ =	shalt  }
0x4e: {  	_ =	shalt  }
0x4f: {  	_ =	shalt  }
0x50: {  	_ =	shalt  }
0x51: {  	_ =	shalt  }
0x52: {  	_ =	shalt  }
0x53: {  	_ =	shalt  }
0x54: {  	_ =	shalt  }
0x55: {  	_ =	shalt  }
0x56: {  	_ =	shalt  }
0x57: {  	_ =	shalt  }
0x58: {  	_ =	shalt  }
0x59: {  	_ =	shalt  }
0x5a: {  	_ =	shalt  }
0x5b: {  	_ =	shalt  }
0x5c: {  	_ =	shalt  }
0x5d: {  	_ =	shalt  }
0x5e: {  	_ =	shalt  }
0x5f: {  	_ =	shalt  }
0x60: {  	_ =	shalt  }
0x61: {  	_ =	shalt  }
0x62: {  	_ =	shalt  }
0x63: {  	_ =	shalt  }
0x64: {  	_ =	shalt  }
0x65: {  	_ =	shalt  }
0x66: {  	_ =	shalt  }
0x67: {  	_ =	shalt  }
0x68: {  	_ =	shalt  }
0x69: {  	_ =	shalt  }
0x6a: {  	_ =	shalt  }
0x6b: {  	_ =	shalt  }
0x6c: {  	_ =	shalt  }
0x6d: {  	_ =	shalt  }
0x6e: {  	_ =	shalt  }
0x6f: {  	_ =	shalt  }
0x70: {  	_ =	shalt  }
0x71: {  	_ =	shalt  }
0x72: {  	_ =	shalt  }
0x73: {  	_ =	shalt  }
0x74: {  	_ =	shalt  }
0x75: {  	_ =	shalt  }
0x76: {  	_ =	shalt  }
0x77: {  	_ =	shalt  }
0x78: {  	_ =	shalt  }
0x79: {  	_ =	shalt  }
0x7a: {  	_ =	shalt  }
0x7b: {  	_ =	shalt  }
0x7c: {  	_ =	shalt  }
0x7d: {  	_ =	shalt  }
0x7e: {  	_ =	shalt  }
0x7f: {  	_ =	shalt  }
0x80: {  	_ =	shalt  }
0x81: {  	_ =	shalt  }
0x82: {  	_ =	shalt  }
0x83: {  	_ =	shalt  }
0x84: {  	_ =	shalt  }
0x85: {  	_ =	shalt  }
0x86: {  	_ =	shalt  }
0x87: {  	_ =	shalt  }
.Lfunc_end0:
.L_simem_size_0:
called_computation_lowered:
.L_overlay_start_0:
0x88: {  	s2 =	sld [smem:$0x3FD9]  }
0x89: {  	s3 =	sld [smem:$0x3FFE];
	_ =	sdelay $0x1  }
0x8a: {  	s1 =	srdreg.scid  }
0x8b: {  	s0 =	sand.u32 $0x1, s1  }
0x8c: {  	s14 =	sshll.u32 s0, $0xA;
	s2 =	sadd.s32 s3, s2  }
0x8d: {  	s2 =	sadd.s32 s2, s14  }
0x8e: {  	[smem:$0x3FC3] =	sst s2  }
0x8f: {  	_ = 	snop  }
0x90: {  	s2 =	sld [smem:$0x3FD0];
	_ =	sdelay $0x2  }
0x91: {  	s4 =	simm.s32 $0xA;
	s5 =	simm.s32 $0x10;
	s15 =	sld [smem:$0x3FC5]  }
0x92: {  	[smem:s5], [sflag:s4] =	dma.local [hbm:s2], $0x1  }
0x93: {  	_ =	swait.eq [sflag:s4], $0x1  }
0x94: {  	[sflag:s4] =	ssyncset.done $0x0  }
0x95: {  	[sflag:s4] =	ssyncadd.s32 $0xFFFFFFFF  }
0x96: {  	s16 =	sld [smem:$0x14];
	(tm) =	ssettm $0x1  }
0x97: {  	s17 =	sld [smem:$0x3FFB];
	_ =	sdelay $0x3  }
0x98: {  	_ =	strace s17  }
0x99: {  	s4 =	sld [smem:$0x3FFC];
	_ =	sdelay $0x3  }
0x9a: {  	_ =	strace s4  }
0x9b: {  	s4 =	sld [smem:$0x3FFD];
	_ =	sdelay $0x3  }
0x9c: {  	_ =	strace s4  }
0x9d: {  	_ =	strace $0x8FFFFFFF  }
0x9e: {  	s18 =	sld [smem:$0x3FDB];
	_ =	sdelay $0x1  }
0x9f: {  	s19 =	simm.s32 $_scs_section_size  }
0xa0: {  	s6 =	simm.s32 $_size__tile_overlayer_lowered;
	s7 =	simm.s32 $_tile_overlayer_lowered  }
0xa1: {  	s22 =	simm.s32 $0x1BFF;
	s21 =	sshll.u32 s7, $0x1;
	s4 =	sadd.s32 s19, s18  }
0xa2: {  	s8 =	simm.s32 $0x0;
	s20 =	sshll.u32 s6, $0x1;
	s6 =	sadd.s32 s21, s4  }
0xa3: {  	[timem:s8], [sflag:s22] =	dma.local [hbm:s6], s20  }
0xa4: {  	_ =	swait.ge [sflag:s22], s20  }
0xa5: {  	s5 =	ssub.s32 $0x0, s20;
	[sflag:s22] =	ssyncset.done $0x0  }
0xa6: {  	[sflag:s22] =	ssyncadd.s32 s5;
	_ =	sdelay $0x1  }
0xa7: {  	s23 =	simm.s32 $0x1B8B  }
0xa8: {  	_ =	swait.ge [sflag:s23], $0x1  }
0xa9: {  	[sflag:s23] =	ssyncset.done $0x0  }
0xaa: {  	s25 =	simm.s32 $0x1B8E;
	s24 =	sld [smem:$0x3FFE];
	[sflag:s23] =	ssyncadd.s32 $0xFFFFFFFF  }
0xab: {  	s26 =	simm.s32 $execute0_lowered;
	[smem:$0x3FD2] =	sst s25  }
0xac: {  	s6 =	sshll.u32 s26, $0x1;
	_ =	strace $0x80000046;
	[dreg:$0x1] =	wrdreg $0xFFFFFFFF  }
0xad: {  	s28 =	simm.s32 $_size_execute0_lowered;
	s4 =	sadd.s32 s4, s6;
	[dreg:$0x0] =	wrdreg $0x0  }
0xae: {  	s6 =	sshll.u32 s28, $0x1;
	[dreg:$0x2] =	wrdreg s4  }
0xaf: {  	[dreg:$0x3] =	wrdreg s6  }
0xb0: {  	[dreg:$0x4] =	wrdreg $0xC0  }
0xb1: {  	_ =	task [dreg:s8], $0x5FFFF  }
0xb2: {  	[dreg:$0x1] =	wrdreg $0xFFFFFFFF  }
0xb3: {  	[dreg:$0x0] =	wrdreg $0x60  }
0xb4: {  	[dreg:$0x2] =	wrdreg s15  }
0xb5: {  	[dreg:$0x3] =	wrdreg s16  }
0xb6: {  	[dreg:$0x4] =	wrdreg s24  }
0xb7: {  	[dreg:$0x5] =	wrdreg $0x9  }
0xb8: {  	_ =	task.clear_ibuf [dreg:s8], $0x6FFFF;
	_ =	strace $0x90000046  }
0xb9: {  	s29 =	simm.s32 $0x9;
	_ =	strace $0x80000048  }
0xba: {  	_ =	swait.ge [sflag:s29], $0x1  }
0xbb: {  	[sflag:s29] =	ssyncadd.s32 $0xFFFFFFFF  }
0xbc: {  	_ =	strace $0x90000048  }
0xbd: {  	_ =	sfence  }
0xbe: {  	s30 =	sld [smem:$0x0];
	_ =	sdelay $0x2  }
0xbf: {  	s31 =	sshll.u32 s1, $0xD;
	s1 =	sshrl.u32 s1, $0x2  }
0xc0: {  	s3 =	sand.u32 $0x4000, s31;
	s1 =	sadd.s32 s1, s30  }
0xc1: {  	s0 =	sor.u32 s3, s0;
	s1 =	sshll.u32 s1, $0x11  }
0xc2: {  	s0 =	sor.u32 s1, s0  }
0xc3: {  	s0 =	sadd.s32 $0x8F2B, s0  }
0xc4: {  	[sflag:s0] =	ssyncadd.remote.s32 $0x1  }
0xc5: {  	_ =	sfence.sel $0xFFFF  }
0xc6: {  	[dreg:$0x0] =	wrdreg $0xFFFFFFFF;
	(pc) =	sbr.abs _section_cstart, $3  }
0xc7: {  	[dreg:$0x1] =	wrdreg $0xFFFFFFFF  }
0xc8: {  	_ =	task.clear_ibuf [dreg:s8], $0x2FFFF;
	_ =	strace $0x9FFFFFFF  }
0xc9: {  	(tm) =	ssettm $0x7FFFFFFF  }
tec
execute0_lowered:
.L_overlay_start_1:
0x0: {  	(tag) =	ssettag $0x1  }
0x1: {  	s2 =	rddreg [dreg:$0x0]  }
0x2: {  	s1 =	srdreg.scid;
	s3 =	rddreg [dreg:$0x1]  }
0x3: {  	s0 =	stileid.u32;
	s4 =	rddreg [dreg:$0x2];
	s1 =	sshll.u32 s1, $0x5  }
0x4: {  	s6 =	simm.s32 $0x1;
	s5 =	sshll.u32 s0, $0x6;
	s1 =	sand.u32 $0x20, s1  }
0x5: {  	s9 =	simm.s32 $0x1;
	s10 =	simm.s32 $0x3;
	s5 =	sor.u32 s5, s1  }
0x6: {  	s13 =	simm.s32 $0x0;
	s1 =	rddreg [dreg:$0x3];
	s8 =	ssub.s32 $0x640, s5  }
.Ltmp0:
0x7: {  	_ =	strace $0x80000047;
	s7 =	sand.u32 $0x3E0, s8;
	(pc) =	sbr.rel .LBB2_1-.Ltmp0, $4  }
0x8: {  	s12 =	simm.s32 $0x0;
	[sflag:s6] =	ssyncpa.u1 $0x0;
	p0 =	sne.s32 s7, $0x0  }
0x9: {  	s8 =	sshrl.u32 s8, $0xA;
	s7 =	simm.s32 $0x2;
	s9 =	simm.s32 @!p0 $0x0  }
0xa: {  	s11 =	smov.u32 s5;
	[sflag:s7] =	ssyncpa.u1 $0x0;
	s8 =	sadd.s32 s9, s8  }
0xb: {  	vm0 =	vmmov $0xffff;
	[sflag:s10] =	ssyncpa.u1 $0x0;
	s10 =	simm.s32 $0x0;
	s9 =	sadd.s32 $0x1, s8  }
.LBB2_5:
0xc: {  	s15 =	sadd.s32 $0x400, s11  }
0xd: {  	p1 =	sgt.s32 s15, $0x63F  }
0xe: {  	s15 =	smov.u32 @p1 s5;
	p1 =	sne.s32 s12, s9  }
.Ltmp1:
0xf: {  	p0 =	slt.u32 s12, $0x2;
	(pc) =	sbr.rel @!p1 .LBB2_6-.Ltmp1, $4  }
0x10: {  	s14 =	simm.s32 @!p0 $0x3  }
0x11: {  	_ =	swait.ge @!p0 [sflag:s14], $0x20  }
0x12: {  	s16 =	sadd.s32 $0x1, s12;
	s13 =	smov.u32 s11;
	[sflag:s14] =	ssyncset.done @!p0 $0x0  }
0x13: {  	s12 =	smov.u32 s16;
	s11 =	smov.u32 s15;
	[sflag:s14] =	ssyncadd.s32 @!p0 $0xFFFFFFE0  }
.LBB2_1:
0x14: {  	p0 =	sge.u32 s12, s8  }
0x15: {  	s14 =	sxor.u32 @!p0 $0xFFFFFFFF, s12  }
0x16: {  	s31 =	sadd.s32 $0xFFFFFFFF, s12;
	s15 =	sshrl.u32 @!p0 s11, $0x3;
	s14 =	sshll.u32 @!p0 s14, $0x5  }
0x17: {  	s16 =	sand.u32 @!p0 $0x7, s11;
	s15 =	sadd.s32 @!p0 s3, s15;
	s14 =	sand.u32 @!p0 $0x20, s14  }
0x18: {  	[tilespmem:s14], [sflag:$0x2] =	stream.linear.gather @!p0 [hbm4b:s15+s16], $0x20, $0x38;
	[tilespmem:$0x80] =	vst v63  }
0x19: {  	p0 =	sge.u32 s31, s8  }
.Ltmp2:
0x1a: {  	_ = 	snop;
	(pc) =	sbr.rel @p0 .LBB2_5-.Ltmp2, $1  }
0x1b: {  	_ =	sdelay $0x3  }
0x1c: {  	_ =	swait.ge [sflag:s7], $0x20;
	s14 =	sshll.u32 s12, $0x5;
	s16 =	simm.s32 $0x0  }
0x1d: {  	p0 =	por $0x1, $0x1;
	[sflag:s7] =	ssyncset.done $0x0;
	s15 =	sand.u32 $0x20, s14  }
0x1e: {  	[sflag:s7] =	ssyncadd.s32 $0xFFFFFFE0;
	(ifvalue) =	ssetifvalue $0x7FFFFFFF;
	s14 =	sor.u32 $0x40, s15  }
.LBB2_3:
0x1f: {  	s17 =	sadd.s32 s16, s15  }
0x20: {  	v0 =	vld.msk [tilespmem:s17+$0x0 ss:$0x1], $0xffff;
	_ =	sdelay $0x4  }
0x21: {  	v1 =	vshll.u32 v0, $0x7  }
0x22: {  	vm1 =	veq.s32 v0, $0x80000000;
	v0 =	vshrl.u32 v0, $0xB;
	v2 =	vand.u32 $0x780, v1  }
0x23: {  	v0 =	vand.u32 $0x7F, v0;
	v1 =	vand.u32 $0x3F800, v1;
	v2 =	vsel vm1, $0xFFFFFF80, v2  }
0x24: {  	v0 =	vsel vm1, $0xFFFFFFFF, v0;
	v1 =	vsel vm1, $0xFFFFF800, v1;
	v3 =	vand.u32 $0xFFFFFC00, v2  }
0x25: {  	v63 =	vand.u32 $0xFFFFFC00, v0;
	v1 =	vadd.s32 v1, v3  }
0x26: {  	v2 =	vand.u32 $0x380, v2;
	v1 =	vadd.s32 v63, v1  }
0x27: {  	v0 =	vand.u32 $0x7F, v0;
	v1 =	vor.u32 v2, v1  }
0x28: {  	p1 =	por p0, p0;
	v0 =	vor.u32 v0, v1  }
.Ltmp3:
0x29: {  	_ = 	snop;
	(pc) =	sbr.rel @p1 .LBB2_3-.Ltmp3, $4  }
0x2a: {  	_ = 	snop  }
0x2b: {  	s31 =	sadd.s32 s16, s14  }
0x2c: {  	s16 =	simm.s32 $0x10;
	p0 =	por $0x0, $0x0;
	(ifvalue) =	ssetifvalue $0x7FFFFFFF  }
0x2d: {  	[tilespmem:s31], [sflag:$0x1] =	stream.indirect_vreg.gather [hbm4b:s2+s10], $0x1, v0, vm0, $0x4038;
	[tilespmem:$0x80] =	vst v63  }
.Ltmp4:
0x2e: {  	(pc) =	sbr.rel .LBB2_5-.Ltmp4, $4  }
0x2f: {  	_ =	swait.ge [sflag:s6], $0x20  }
0x30: {  	s15 =	sshrl.u32 s13, $0x3;
	[sflag:s6] =	ssyncset.done $0x0  }
0x31: {  	s31 =	sand.u32 $0x7, s13;
	s15 =	sadd.s32 s4, s15;
	[sflag:s6] =	ssyncadd.s32 $0xFFFFFFE0  }
0x32: {  	[hbm4b:s15+s31] =	stream.linear.scatter [tilespmem:s14], [sflag:$0x3], $0x20, $0x38;
	[tilespmem:$0x80] =	vst v63  }
.LBB2_6:
0x33: {  	_ =	sfence.sel $0x180000  }
0x34: {  	s2 =	simm.s32 $0x2;
	[bflag:$0x0] =	sbarrier.arrive $0xFFFF  }
0x35: {  	s30 =	simm.s32 $0x3;
	[sflag:s2] =	ssyncpa.u1 $0x1  }
0x36: {  	s31 =	simm.s32 $0x1;
	[sflag:s30] =	ssyncpa.u1 $0x1  }
0x37: {  	[sflag:s31] =	ssyncpa.u1 $0x1  }
0x38: {  	p0 =	sne.s32 s0, $0x0;
	_ =	strace $0x90000047  }
0x39: {  	s0 =	sadd.s32 @!p0 $0x100000, s1;
	[bflag:$0x2] =	sbarrier.arrive $0xFFFF  }
0x3a: {  	[sflag:s0] =	ssyncadd.tile.s32 @!p0 $0x1;
	_ =	shalt  }
.Lfunc_end2:
_tile_overlayer_lowered:
.L_overlay_start_2:
0x3b: {  	(tag) =	ssettag $0x2  }
0x3c: {  	s0 =	rddreg [dreg:$0x0];
	s2 =	stileid.u32  }
0x3d: {  	s1 =	rddreg [dreg:$0x1];
	p0 =	sne.s32 s2, $0x0  }
0x3e: {  	s3 =	rddreg [dreg:$0x2];
	[bflag:$0x3] =	sbarrier.arrive $0xFFFF;
	s2 =	simm.s32 @!p0 $0x1C01  }
0x3f: {  	[timem:s3], [sflag:s2] =	dma.local @!p0 [hbm:s0], s1  }
0x40: {  	s0 =	simm.s32 @!p0 $0x1  }
0x41: {  	_ =	swait.ge @!p0 [sflag:s0], s1  }
0x42: {  	s1 =	ssub.s32 @!p0 $0x0, s1;
	[sflag:s0] =	ssyncset.done @!p0 $0x0  }
0x43: {  	[sflag:s0] =	ssyncadd.s32 @!p0 s1  }
0x44: {  	[bflag:$0x3] =	sbarrier.arrive $0xFFFF  }
0x45: {  	_ =	shalt  }

</sc_bundles>
